<compile_context>
chip_gen: v7x
topology: tpu7x:2x2x1
jax: 0.10.2.dev20260603
libtpu: 0.0.44.dev20260713+nightly
codegen_flags: <defaults>
</compile_context>

<pallas_src>
import jax
import jax.numpy as jnp
from jax.experimental import pallas as pl
from jax.experimental.pallas import tpu as pltpu

ENT = 1000000
REL = 1000
D = 64
B = 16384
C = 1.0

K = 4
CH = (ENT // 2) // K
EROWS2 = 5000
N_BLOCKS = CH // EROWS2


def _stream_body(a_ref, b_ref, c_ref, d_ref, mask_ref, out_ref, acc_ref):
    i = pl.program_id(0)

    @pl.when(i == 0)
    def _init():
        acc_ref[0] = 0.0

    s = 0.0
    for r in (a_ref, b_ref, c_ref, d_ref):
        e2 = r[...]
        sq = jnp.dot(e2 * e2, mask_ref[...], preferred_element_type=jnp.float32)
        s = s + jnp.sum(jax.nn.relu(jnp.sqrt(sq) - 1.0))
    acc_ref[0] = acc_ref[0] + s

    @pl.when(i == N_BLOCKS - 1)
    def _fin():
        out_ref[...] = jnp.broadcast_to(acc_ref[0] / ENT, (1, 1))


def kernel(posX, negX, entityEmb, relationEmb, hyperEmb):
    ent2 = jnp.reshape(entityEmb, (ENT // 2, 2 * D))
    chunks = [jax.lax.slice(ent2, (k * CH, 0), ((k + 1) * CH, 2 * D))
              for k in range(K)]

    lane = jax.lax.broadcasted_iota(jnp.int32, (2 * D, 2), 0)
    col = jax.lax.broadcasted_iota(jnp.int32, (2 * D, 2), 1)
    halfmask = ((lane // D) == col).astype(jnp.float32)

    spec = pl.BlockSpec((EROWS2, 2 * D), lambda i: (i, 0))
    out = pl.pallas_call(
        _stream_body,
        grid=(N_BLOCKS,),
        in_specs=[spec, spec, spec, spec,
                  pl.BlockSpec((2 * D, 2), lambda i: (0, 0))],
        out_specs=pl.BlockSpec((1, 1), lambda i: (0, 0)),
        out_shape=jax.ShapeDtypeStruct((1, 1), jnp.float32),
        scratch_shapes=[pltpu.SMEM((1,), jnp.float32)],
        compiler_params=pltpu.CompilerParams(
            dimension_semantics=("arbitrary",)),
    )(*chunks, halfmask)
    return out[0, 0]

# --- scband reference (transcript-rebuilt; emitter-appended) ---
"""Pipeline reference for scband-trans-h-9251359555856 (READ-ONLY COPY).

The authoritative reference and input builder live on the scoring server;
editing this copy changes nothing except your own understanding.
"""

import jax, jax.numpy as jnp
import numpy as np

ENT_NUM = 1000000
REL_NUM = 1000
DIM = 64
MARGIN = 1.0
C = 1.0
EPS = 0.001
BATCH = 16384


def setup_inputs(seed: int = 0) -> dict:
    key = jax.random.key(seed)
    k0, k1, k2, k3, k4 = jax.random.split(key, 5)
    posX = jax.random.randint(k0, (BATCH, 3), 0, 1000, dtype=jnp.int32)
    negX = jax.random.randint(k1, (BATCH, 3), 0, 1000, dtype=jnp.int32)
    entityEmb = jax.random.normal(k2, (ENT_NUM, DIM), dtype=jnp.float32) * 0.02
    relationEmb = jax.random.normal(k3, (REL_NUM, DIM), dtype=jnp.float32) * 0.02
    hyperEmb = jax.random.normal(k4, (REL_NUM, DIM), dtype=jnp.float32) * 0.02
    return {"posX": posX, "negX": negX, "entityEmb": entityEmb, "relationEmb": relationEmb, "hyperEmb": hyperEmb}


def _score(triple, entityEmb, relationEmb, hyperEmb):
    h = jnp.take(entityEmb, triple[:, 0], axis=0)
    relHyper = jnp.take(hyperEmb, triple[:, 1], axis=0)
    r = jnp.take(relationEmb, triple[:, 1], axis=0)
    t = jnp.take(entityEmb, triple[:, 2], axis=0)
    h = h - relHyper * jnp.sum(h * relHyper, axis=1, keepdims=True)
    t = t - relHyper * jnp.sum(t * relHyper, axis=1, keepdims=True)
    # torch.nn.PairwiseDistance(p=2) adds eps=1e-6 to the difference
    diff = h + r - t + 1e-06
    return jnp.sqrt(jnp.sum(diff * diff, axis=1))


def reference(posX, negX, entityEmb, relationEmb, hyperEmb):
    size = posX.shape[0]
    posScore = _score(posX, entityEmb, relationEmb, hyperEmb)
    negScore = _score(negX, entityEmb, relationEmb, hyperEmb)
    marginLoss = jnp.sum(jax.nn.relu(posScore - negScore + MARGIN))
    entNorm = jnp.sqrt(jnp.sum(entityEmb * entityEmb, axis=1))
    entityLoss = jnp.sum(jax.nn.relu(entNorm - 1.0))
    relNorm = jnp.sqrt(jnp.sum(relationEmb * relationEmb, axis=1))
    orthLoss = jnp.sum(jax.nn.relu(jnp.sum(hyperEmb * relationEmb, axis=1) / relNorm - EPS ** 2))
    return marginLoss / size + C * (entityLoss / ENT_NUM + orthLoss / REL_NUM)

if __name__ == "__main__":
    import jax
    _d = setup_inputs()
    print(jax.jit(kernel)(*tuple(_d.values())))

</pallas_src>

<mosaic_0001>
module attributes {stable_mosaic.version = 14 : i64} {
  func.func @_stream_body(%arg0: i32, %arg1: memref<5000x128xf32, #tpu.memory_space<vmem>>, %arg2: memref<5000x128xf32, #tpu.memory_space<vmem>>, %arg3: memref<5000x128xf32, #tpu.memory_space<vmem>>, %arg4: memref<5000x128xf32, #tpu.memory_space<vmem>>, %arg5: memref<128x2xf32, #tpu.memory_space<vmem>>, %arg6: memref<1x1xf32, #tpu.memory_space<vmem>>, %arg7: memref<1xf32, #tpu.memory_space<smem>>) attributes {dimension_semantics = [#tpu.dimension_semantics<arbitrary>], iteration_bounds = array<i64: 25>, scalar_prefetch = 0 : i64, scratch_operands = 1 : i64, tpu.core_type = #tpu.core_type<tc>, window_params = [{transform_indices = @transform_0, window_bounds = array<i64: 5000, 128>}, {transform_indices = @transform_1, window_bounds = array<i64: 5000, 128>}, {transform_indices = @transform_2, window_bounds = array<i64: 5000, 128>}, {transform_indices = @transform_3, window_bounds = array<i64: 5000, 128>}, {pipeline_mode = #tpu.pipeline_mode<synchronous>, transform_indices = @transform_4, window_bounds = array<i64: 128, 2>}, {pipeline_mode = #tpu.pipeline_mode<synchronous>, transform_indices = @transform_5, window_bounds = array<i64: 1, 1>}]} {
    %eq3A = arith.constant 0 : i32
    %eq3A_0 = arith.cmpi eq, %arg0, %eq3A : i32
    %convert_element_type3A = arith.extui %eq3A_0 : i1 to i32
    %cond3A = arith.constant 0 : i32
    %cond3A_1 = arith.cmpi ne, %convert_element_type3A, %cond3A : i32
    scf.if %cond3A_1 {
      %swap3A_92 = arith.constant 0.000000e+00 : f32
      %swap3A_93 = arith.constant 0 : index
      %swap3A_94 = memref.load %arg7[%swap3A_93] : memref<1xf32, #tpu.memory_space<smem>>
      memref.store %swap3A_92, %arg7[%swap3A_93] : memref<1xf32, #tpu.memory_space<smem>>
    } else {
    }
    %get3A = arith.constant 0 : index
    %get3A_2 = arith.constant 0 : index
    %get3A_3 = vector.load %arg1[%get3A, %get3A_2] : memref<5000x128xf32, #tpu.memory_space<vmem>>, vector<5000x128xf32>
    %mul3A = arith.mulf %get3A_3, %get3A_3 : vector<5000x128xf32>
    %get3A_4 = arith.constant 0 : index
    %get3A_5 = arith.constant 0 : index
    %get3A_6 = vector.load %arg5[%get3A_4, %get3A_5] : memref<128x2xf32, #tpu.memory_space<vmem>>, vector<128x2xf32>
    %dot_general3A = arith.constant dense<0.000000e+00> : vector<5000x2xf32>
    %dot_general3A_7 = tpu.matmul %mul3A, %get3A_6, %dot_general3A {dimension_numbers = #tpu.dot_dimension_numbers<[1], [0], [0], [1], [0, 0, 1, 1], [], []>, transpose_lhs_hint = false} : vector<5000x128xf32>, vector<128x2xf32>, vector<5000x2xf32> -> vector<5000x2xf32>
    %sqrt3A = math.sqrt %dot_general3A_7 : vector<5000x2xf32>
    %sub3A = arith.constant 1.000000e+00 : f32
    %sub3A_8 = vector.broadcast %sub3A : f32 to vector<5000x2xf32>
    %sub3A_9 = arith.subf %sqrt3A, %sub3A_8 : vector<5000x2xf32>
    %max3A = arith.constant 0.000000e+00 : f32
    %max3A_10 = vector.broadcast %max3A : f32 to vector<5000x2xf32>
    %max3A_11 = arith.maximumf %sub3A_9, %max3A_10 : vector<5000x2xf32>
    %reduce_sum3A = vector.shape_cast %max3A_11 : vector<5000x2xf32> to vector<1x5000x2xf32>
    %reduce_sum3A_12 = arith.constant dense<0.000000e+00> : vector<1xf32>
    %reduce_sum3A_13 = vector.multi_reduction <add>, %reduce_sum3A, %reduce_sum3A_12 [1, 2] : vector<1x5000x2xf32> to vector<1xf32>
    %reduce_sum3A_14 = vector.shape_cast %reduce_sum3A_13 : vector<1xf32> to vector<1x1x1xf32>
    %reduce_sum3A_15 = vector.extract %reduce_sum3A_14[0, 0, 0] : f32 from vector<1x1x1xf32>
    %add3A = arith.constant 0.000000e+00 : f32
    %add3A_16 = arith.addf %add3A, %reduce_sum3A_15 : f32
    %get3A_17 = arith.constant 0 : index
    %get3A_18 = arith.constant 0 : index
    %get3A_19 = vector.load %arg2[%get3A_17, %get3A_18] : memref<5000x128xf32, #tpu.memory_space<vmem>>, vector<5000x128xf32>
    %mul3A_20 = arith.mulf %get3A_19, %get3A_19 : vector<5000x128xf32>
    %get3A_21 = arith.constant 0 : index
    %get3A_22 = arith.constant 0 : index
    %get3A_23 = vector.load %arg5[%get3A_21, %get3A_22] : memref<128x2xf32, #tpu.memory_space<vmem>>, vector<128x2xf32>
    %dot_general3A_24 = arith.constant dense<0.000000e+00> : vector<5000x2xf32>
    %dot_general3A_25 = tpu.matmul %mul3A_20, %get3A_23, %dot_general3A_24 {dimension_numbers = #tpu.dot_dimension_numbers<[1], [0], [0], [1], [0, 0, 1, 1], [], []>, transpose_lhs_hint = false} : vector<5000x128xf32>, vector<128x2xf32>, vector<5000x2xf32> -> vector<5000x2xf32>
    %sqrt3A_26 = math.sqrt %dot_general3A_25 : vector<5000x2xf32>
    %sub3A_27 = arith.constant 1.000000e+00 : f32
    %sub3A_28 = vector.broadcast %sub3A_27 : f32 to vector<5000x2xf32>
    %sub3A_29 = arith.subf %sqrt3A_26, %sub3A_28 : vector<5000x2xf32>
    %max3A_30 = arith.constant 0.000000e+00 : f32
    %max3A_31 = vector.broadcast %max3A_30 : f32 to vector<5000x2xf32>
    %max3A_32 = arith.maximumf %sub3A_29, %max3A_31 : vector<5000x2xf32>
    %reduce_sum3A_33 = vector.shape_cast %max3A_32 : vector<5000x2xf32> to vector<1x5000x2xf32>
    %reduce_sum3A_34 = arith.constant dense<0.000000e+00> : vector<1xf32>
    %reduce_sum3A_35 = vector.multi_reduction <add>, %reduce_sum3A_33, %reduce_sum3A_34 [1, 2] : vector<1x5000x2xf32> to vector<1xf32>
    %reduce_sum3A_36 = vector.shape_cast %reduce_sum3A_35 : vector<1xf32> to vector<1x1x1xf32>
    %reduce_sum3A_37 = vector.extract %reduce_sum3A_36[0, 0, 0] : f32 from vector<1x1x1xf32>
    %add3A_38 = arith.addf %add3A_16, %reduce_sum3A_37 : f32
    %get3A_39 = arith.constant 0 : index
    %get3A_40 = arith.constant 0 : index
    %get3A_41 = vector.load %arg3[%get3A_39, %get3A_40] : memref<5000x128xf32, #tpu.memory_space<vmem>>, vector<5000x128xf32>
    %mul3A_42 = arith.mulf %get3A_41, %get3A_41 : vector<5000x128xf32>
    %get3A_43 = arith.constant 0 : index
    %get3A_44 = arith.constant 0 : index
    %get3A_45 = vector.load %arg5[%get3A_43, %get3A_44] : memref<128x2xf32, #tpu.memory_space<vmem>>, vector<128x2xf32>
    %dot_general3A_46 = arith.constant dense<0.000000e+00> : vector<5000x2xf32>
    %dot_general3A_47 = tpu.matmul %mul3A_42, %get3A_45, %dot_general3A_46 {dimension_numbers = #tpu.dot_dimension_numbers<[1], [0], [0], [1], [0, 0, 1, 1], [], []>, transpose_lhs_hint = false} : vector<5000x128xf32>, vector<128x2xf32>, vector<5000x2xf32> -> vector<5000x2xf32>
    %sqrt3A_48 = math.sqrt %dot_general3A_47 : vector<5000x2xf32>
    %sub3A_49 = arith.constant 1.000000e+00 : f32
    %sub3A_50 = vector.broadcast %sub3A_49 : f32 to vector<5000x2xf32>
    %sub3A_51 = arith.subf %sqrt3A_48, %sub3A_50 : vector<5000x2xf32>
    %max3A_52 = arith.constant 0.000000e+00 : f32
    %max3A_53 = vector.broadcast %max3A_52 : f32 to vector<5000x2xf32>
    %max3A_54 = arith.maximumf %sub3A_51, %max3A_53 : vector<5000x2xf32>
    %reduce_sum3A_55 = vector.shape_cast %max3A_54 : vector<5000x2xf32> to vector<1x5000x2xf32>
    %reduce_sum3A_56 = arith.constant dense<0.000000e+00> : vector<1xf32>
    %reduce_sum3A_57 = vector.multi_reduction <add>, %reduce_sum3A_55, %reduce_sum3A_56 [1, 2] : vector<1x5000x2xf32> to vector<1xf32>
    %reduce_sum3A_58 = vector.shape_cast %reduce_sum3A_57 : vector<1xf32> to vector<1x1x1xf32>
    %reduce_sum3A_59 = vector.extract %reduce_sum3A_58[0, 0, 0] : f32 from vector<1x1x1xf32>
    %add3A_60 = arith.addf %add3A_38, %reduce_sum3A_59 : f32
    %get3A_61 = arith.constant 0 : index
    %get3A_62 = arith.constant 0 : index
    %get3A_63 = vector.load %arg4[%get3A_61, %get3A_62] : memref<5000x128xf32, #tpu.memory_space<vmem>>, vector<5000x128xf32>
    %mul3A_64 = arith.mulf %get3A_63, %get3A_63 : vector<5000x128xf32>
    %get3A_65 = arith.constant 0 : index
    %get3A_66 = arith.constant 0 : index
    %get3A_67 = vector.load %arg5[%get3A_65, %get3A_66] : memref<128x2xf32, #tpu.memory_space<vmem>>, vector<128x2xf32>
    %dot_general3A_68 = arith.constant dense<0.000000e+00> : vector<5000x2xf32>
    %dot_general3A_69 = tpu.matmul %mul3A_64, %get3A_67, %dot_general3A_68 {dimension_numbers = #tpu.dot_dimension_numbers<[1], [0], [0], [1], [0, 0, 1, 1], [], []>, transpose_lhs_hint = false} : vector<5000x128xf32>, vector<128x2xf32>, vector<5000x2xf32> -> vector<5000x2xf32>
    %sqrt3A_70 = math.sqrt %dot_general3A_69 : vector<5000x2xf32>
    %sub3A_71 = arith.constant 1.000000e+00 : f32
    %sub3A_72 = vector.broadcast %sub3A_71 : f32 to vector<5000x2xf32>
    %sub3A_73 = arith.subf %sqrt3A_70, %sub3A_72 : vector<5000x2xf32>
    %max3A_74 = arith.constant 0.000000e+00 : f32
    %max3A_75 = vector.broadcast %max3A_74 : f32 to vector<5000x2xf32>
    %max3A_76 = arith.maximumf %sub3A_73, %max3A_75 : vector<5000x2xf32>
    %reduce_sum3A_77 = vector.shape_cast %max3A_76 : vector<5000x2xf32> to vector<1x5000x2xf32>
    %reduce_sum3A_78 = arith.constant dense<0.000000e+00> : vector<1xf32>
    %reduce_sum3A_79 = vector.multi_reduction <add>, %reduce_sum3A_77, %reduce_sum3A_78 [1, 2] : vector<1x5000x2xf32> to vector<1xf32>
    %reduce_sum3A_80 = vector.shape_cast %reduce_sum3A_79 : vector<1xf32> to vector<1x1x1xf32>
    %reduce_sum3A_81 = vector.extract %reduce_sum3A_80[0, 0, 0] : f32 from vector<1x1x1xf32>
    %add3A_82 = arith.addf %add3A_60, %reduce_sum3A_81 : f32
    %get3A_83 = arith.constant 0 : index
    %get3A_84 = memref.load %arg7[%get3A_83] : memref<1xf32, #tpu.memory_space<smem>>
    %add3A_85 = arith.addf %get3A_84, %add3A_82 : f32
    %swap3A = arith.constant 0 : index
    %swap3A_86 = memref.load %arg7[%swap3A] : memref<1xf32, #tpu.memory_space<smem>>
    memref.store %add3A_85, %arg7[%swap3A] : memref<1xf32, #tpu.memory_space<smem>>
    %eq3A_87 = arith.constant 24 : i32
    %eq3A_88 = arith.cmpi eq, %arg0, %eq3A_87 : i32
    %convert_element_type3A_89 = arith.extui %eq3A_88 : i1 to i32
    %cond3A_90 = arith.constant 0 : i32
    %cond3A_91 = arith.cmpi ne, %convert_element_type3A_89, %cond3A_90 : i32
    scf.if %cond3A_91 {
      %get3A_92 = arith.constant 0 : index
      %get3A_93 = memref.load %arg7[%get3A_92] : memref<1xf32, #tpu.memory_space<smem>>
      %div3A = arith.constant 1.000000e+06 : f32
      %div3A_94 = arith.divf %get3A_93, %div3A : f32
      %broadcast_in_dim3A = vector.broadcast %div3A_94 : f32 to vector<1x1xf32>
      %swap3A_95 = arith.constant 0 : index
      %swap3A_96 = arith.constant 0 : index
      %swap3A_97 = vector.load %arg6[%swap3A_95, %swap3A_96] : memref<1x1xf32, #tpu.memory_space<vmem>>, vector<1x1xf32>
      tpu.vector_store %arg6[%swap3A_95, %swap3A_96], %broadcast_in_dim3A {strides = array<i32>} : memref<1x1xf32, #tpu.memory_space<vmem>>, vector<1x1xf32>,
    } else {
    }
    return
  }
  func.func @transform_0(%arg0: i32) -> (i32, i32) {
    %c0_i32 = arith.constant 0 : i32
    %c0_i32_0 = arith.constant 0 : i32
    return %arg0, %c0_i32 : i32, i32
  }
  func.func @transform_1(%arg0: i32) -> (i32, i32) {
    %c0_i32 = arith.constant 0 : i32
    %c0_i32_0 = arith.constant 0 : i32
    return %arg0, %c0_i32 : i32, i32
  }
  func.func @transform_2(%arg0: i32) -> (i32, i32) {
    %c0_i32 = arith.constant 0 : i32
    %c0_i32_0 = arith.constant 0 : i32
    return %arg0, %c0_i32 : i32, i32
  }
  func.func @transform_3(%arg0: i32) -> (i32, i32) {
    %c0_i32 = arith.constant 0 : i32
    %c0_i32_0 = arith.constant 0 : i32
    return %arg0, %c0_i32 : i32, i32
  }
  func.func @transform_4(%arg0: i32) -> (i32, i32) {
    %c0_i32 = arith.constant 0 : i32
    %c0_i32_0 = arith.constant 0 : i32
    %c0_i32_1 = arith.constant 0 : i32
    return %c0_i32, %c0_i32_0 : i32, i32
  }
  func.func @transform_5(%arg0: i32) -> (i32, i32) {
    %c0_i32 = arith.constant 0 : i32
    %c0_i32_0 = arith.constant 0 : i32
    %c0_i32_1 = arith.constant 0 : i32
    return %c0_i32, %c0_i32_0 : i32, i32
  }
}

</mosaic_0001>

<sc_bundles>
// kernel: sparse-core-data-format-call.cloned.1.call-start
scs
called_computation_lowered:
.L_overlay_start_0:
0x0: {  	s1 =	sld [smem:$0x3FD9]  }
0x1: {  	s2 =	sld [smem:$0x3FFE];
	_ =	sdelay $0x1  }
0x2: {  	s3 =	srdreg.scid  }
0x3: {  	s0 =	sand.u32 $0x1, s3  }
0x4: {  	s17 =	sshll.u32 s0, $0xA;
	s1 =	sadd.s32 s2, s1  }
0x5: {  	s1 =	sadd.s32 s1, s17  }
0x6: {  	[smem:$0x3FC7] =	sst s1  }
0x7: {  	_ = 	snop  }
0x8: {  	(tm) =	ssettm $0x1  }
0x9: {  	s18 =	sld [smem:$0x3FFB];
	_ =	sdelay $0x3  }
0xa: {  	_ =	strace s18  }
0xb: {  	s1 =	sld [smem:$0x3FFC];
	_ =	sdelay $0x3  }
0xc: {  	_ =	strace s1  }
0xd: {  	s1 =	sld [smem:$0x3FFD];
	_ =	sdelay $0x3  }
0xe: {  	_ =	strace s1  }
0xf: {  	_ =	strace $0x8FFFFFFF  }
0x10: {  	s19 =	sld [smem:$0x3FDB];
	_ =	sdelay $0x1  }
0x11: {  	s20 =	simm.s32 $_scs_section_size  }
0x12: {  	s4 =	simm.s32 $_size__tile_overlayer_lowered;
	s5 =	simm.s32 $_tile_overlayer_lowered  }
0x13: {  	s23 =	simm.s32 $0x1BFF;
	s22 =	sshll.u32 s5, $0x1;
	s1 =	sadd.s32 s20, s19  }
0x14: {  	s6 =	simm.s32 $0x0;
	s21 =	sshll.u32 s4, $0x1;
	s4 =	sadd.s32 s22, s1  }
0x15: {  	[timem:s6], [sflag:s23] =	dma.local [hbm:s4], s21  }
0x16: {  	_ =	swait.ge [sflag:s23], s21  }
0x17: {  	s2 =	ssub.s32 $0x0, s21;
	[sflag:s23] =	ssyncset.done $0x0  }
0x18: {  	[sflag:s23] =	ssyncadd.s32 s2;
	_ =	sdelay $0x1  }
0x19: {  	s24 =	simm.s32 $0x1B8B  }
0x1a: {  	_ =	swait.ge [sflag:s24], $0x1  }
0x1b: {  	[sflag:s24] =	ssyncset.done $0x0  }
0x1c: {  	s26 =	simm.s32 $0x1B8E;
	s25 =	sld [smem:$0x3FFE];
	[sflag:s24] =	ssyncadd.s32 $0xFFFFFFFF  }
0x1d: {  	s27 =	simm.s32 $execute0_lowered;
	[smem:$0x3FD2] =	sst s26  }
0x1e: {  	s4 =	sshll.u32 s27, $0x1;
	_ =	strace $0x80000046;
	[dreg:$0x1] =	wrdreg $0xFFFFFFFF  }
0x1f: {  	s28 =	simm.s32 $_size_execute0_lowered;
	s1 =	sadd.s32 s1, s4;
	[dreg:$0x0] =	wrdreg $0x0  }
0x20: {  	s4 =	sshll.u32 s28, $0x1;
	[dreg:$0x2] =	wrdreg s1  }
0x21: {  	[dreg:$0x3] =	wrdreg s4  }
0x22: {  	[dreg:$0x4] =	wrdreg $0xC0  }
0x23: {  	_ =	task [dreg:s6], $0x5FFFF  }
0x24: {  	[dreg:$0x1] =	wrdreg $0xFFFFFFFF  }
0x25: {  	[dreg:$0x0] =	wrdreg $0x60  }
0x26: {  	[dreg:$0x2] =	wrdreg s25  }
0x27: {  	[dreg:$0x3] =	wrdreg $0x9  }
0x28: {  	_ =	task.clear_ibuf [dreg:s6], $0x4FFFF;
	_ =	strace $0x90000046  }
0x29: {  	s29 =	simm.s32 $0x9;
	_ =	strace $0x80000048  }
0x2a: {  	_ =	swait.ge [sflag:s29], $0x1  }
0x2b: {  	[sflag:s29] =	ssyncadd.s32 $0xFFFFFFFF  }
0x2c: {  	_ =	strace $0x90000048  }
0x2d: {  	_ =	sfence  }
0x2e: {  	s30 =	sld [smem:$0x0];
	_ =	sdelay $0x2  }
0x2f: {  	s31 =	sshll.u32 s3, $0xD;
	s3 =	sshrl.u32 s3, $0x2  }
0x30: {  	s2 =	sand.u32 $0x4000, s31;
	s1 =	sadd.s32 s3, s30  }
0x31: {  	s0 =	sor.u32 s2, s0;
	s1 =	sshll.u32 s1, $0x11  }
0x32: {  	s0 =	sor.u32 s1, s0  }
0x33: {  	s0 =	sadd.s32 $0x8F2B, s0  }
0x34: {  	[sflag:s0] =	ssyncadd.remote.s32 $0x1  }
0x35: {  	_ =	sfence.sel $0xFFFF  }
0x36: {  	[dreg:$0x0] =	wrdreg $0xFFFFFFFF;
	(pc) =	sbr.abs _section_cstart, $3  }
0x37: {  	[dreg:$0x1] =	wrdreg $0xFFFFFFFF  }
0x38: {  	_ =	task.clear_ibuf [dreg:s6], $0x2FFFF;
	_ =	strace $0x9FFFFFFF  }
0x39: {  	(tm) =	ssettm $0x7FFFFFFF  }
tec
execute0_lowered:
.L_overlay_start_1:
0x0: {  	(tag) =	ssettag $0x1  }
0x1: {  	s0 =	srdreg.scid  }
0x2: {  	s5 =	rddreg [dreg:$0x0];
	s1 =	stileid.u32;
	s4 =	simm.s32 $0x1  }
0x3: {  	s6 =	simm.s32 $0x2;
	s15 =	simm.s32 $0x0;
	p0 =	por $0x0, $0x0  }
0x4: {  	s8 =	simm.s32 $0x80;
	s14 =	simm.s32 $0x0;
	s2 =	sshll.u32 s0, $0x4  }
0x5: {  	s9 =	simm.s32 $0x0;
	s10 =	simm.s32 $0x0;
	s2 =	sand.u32 $0x10, s2  }
.Ltmp0:
0x6: {  	s12 =	simm.s32 $0x0;
	s3 =	sor.u32 s1, s2;
	(pc) =	sbr.rel .LBB1_1-.Ltmp0, $4  }
0x7: {  	s0 =	rddreg [dreg:$0x1];
	_ =	strace $0x80000047;
	s3 =	sshll.u32 s3, $0x8  }
0x8: {  	s13 =	simm.s32 $0x0;
	[sflag:s4] =	ssyncpa.u1 $0x0;
	s7 =	ssub.s32 $0x3D000, s3  }
0x9: {  	s2 =	sadd.s32 $0x800, s5;
	[sflag:s6] =	ssyncpa.u1 $0x0;
	s6 =	sshrl.u32 s7, $0xD  }
0xa: {  	s5 =	sadd.s32 $0x1E9000, s5;
	s11 =	smov.u32 s3;
	s7 =	sadd.s32 $0x2, s6  }
.LBB1_5:
0xb: {  	p1 =	slt.u32 s13, $0x2  }
0xc: {  	s17 =	smov.u32 s15;
	p2 =	sgt.s32 @!p1 s15, $0x3CF90;
	s16 =	sshra.s32 @!p1 s15, $0x1F  }
0xd: {  	p3 =	sgt.s32 @!p1 s14, $0x40;
	s18 =	sshra.s32 @!p1 s14, $0x1F;
	p2 =	por !p2, p1  }
0xe: {  	s15 =	sand.u32 @!p1 s16, s15;
	p3 =	por !p3, p1;
	s16 =	smov.u32 s14  }
0xf: {  	s14 =	sand.u32 @!p1 s18, s14;
	s17 =	simm.s32 @p2 $0x3CF90;
	s16 =	simm.s32 @p3 $0x40  }
0x10: {  	s15 =	ssub.s32 @!p1 s17, s15;
	s14 =	ssub.s32 @!p1 s16, s14  }
0x11: {  	s18 =	smov.u32 s12;
	s16 =	sadd.s32 @!p1 $0xFFFC3070, s15;
	s17 =	sadd.s32 @!p1 $0xFFFFFFC0, s14  }
0x12: {  	s15 =	ssub.s32 @!p1 $0x3D090, s15;
	p2 =	sgt.s32 @!p1 s16, $0xFF;
	p3 =	sgt.s32 @!p1 s17, $0x3F  }
0x13: {  	s14 =	ssub.s32 @!p1 $0x80, s14;
	p2 =	por !p2, p1;
	p3 =	por !p3, p1  }
0x14: {  	s16 =	sadd.s32 $0x2000, s11;
	s15 =	simm.s32 @!p2 $0x0;
	s14 =	simm.s32 @!p3 $0x0  }
0x15: {  	p2 =	sgt.s32 s16, $0x3D08F;
	s14 =	smul.u32 @!p1 s14, s15;
	s15 =	sadd.s32 $0x40, s12  }
0x16: {  	s18 =	smov.u32 @p2 s15  }
0x17: {  	s16 =	smov.u32 @p2 s3;
	p2 =	sgt.s32 s18, $0x3F  }
0x18: {  	s18 =	simm.s32 @p2 $0x0;
	p2 =	sne.s32 s13, s7  }
.Ltmp1:
0x19: {  	p0 =	por !p0, !p0;
	s17 =	simm.s32 @!p1 $0x2;
	(pc) =	sbr.rel @!p2 .LBB1_6-.Ltmp1, $4  }
0x1a: {  	s15 =	smov.u32 s9;
	s9 =	smov.u32 s11;
	s14 =	sand.u32 @!p1 $0x3FFFFFFF, s14  }
0x1b: {  	s11 =	smov.u32 s16;
	_ =	swait.ge @!p1 [sflag:s17], s14;
	s19 =	ssub.s32 @!p1 $0x0, s14  }
0x1c: {  	s14 =	smov.u32 s10;
	s13 =	sadd.s32 $0x1, s13;
	[sflag:s17] =	ssyncset.done @!p1 $0x0  }
0x1d: {  	s10 =	smov.u32 s12;
	s12 =	smov.u32 s18;
	[sflag:s17] =	ssyncadd.s32 @!p1 s19  }
.LBB1_1:
0x1e: {  	p1 =	sgt.u32 s13, s6  }
0x1f: {  	s16 =	sshrl.u32 @!p1 s12, $0x3  }
0x20: {  	s17 =	sshll.u32 @!p1 s11, $0x3;
	s16 =	smul.u32 @!p1 $0x1E8800, s16  }
0x21: {  	s18 =	sshll.u32 @!p1 s12, $0x7;
	s17 =	sand.u32 @!p1 $0xFFFFFC00, s17  }
0x22: {  	s16 =	sadd.s32 @!p1 s16, s17;
	s17 =	sand.u32 @!p1 $0x380, s18  }
0x23: {  	s16 =	sor.u32 @!p1 s17, s16  }
0x24: {  	s17 =	sshrl.u32 @!p1 s16, $0x8  }
0x25: {  	s17 =	smulhi.u32 @!p1 $0x10C50B5, s17;
	_ =	sdelay $0x1  }
0x26: {  	s17 =	sshrl.u32 @!p1 s17, $0x2  }
0x27: {  	s18 =	sand.u32 @!p1 $0x7F, s11;
	s19 =	smul.u32 @!p1 $0x3D100, s17  }
0x28: {  	s16 =	sor.u32 @!p1 s18, s16;
	s18 =	sxor.u32 @!p1 $0xFFFFFFFF, s13  }
0x29: {  	s18 =	sshll.u32 @!p1 s18, $0xE;
	s17 =	sand.u32 @!p1 $0x3F, s17;
	s16 =	ssub.s32 @!p1 s16, s19  }
0x2a: {  	s17 =	smul.u32 @!p1 $0x7A20, s17;
	s19 =	sshrl.u32 @!p1 s16, $0x3;
	s16 =	sand.u32 @!p1 $0x7, s16  }
0x2b: {  	s18 =	sand.u32 @!p1 $0x4000, s18;
	s19 =	sadd.s32 @!p1 s2, s19;
	s16 =	sshll.u32 @!p1 s16, $0x12  }
0x2c: {  	s17 =	sadd.s32 @!p1 s17, s19;
	s16 =	sor.u32 @!p1 $0x800, s16;
	s19 =	simm.s32 @!p1 $0x1E8800  }
0x2d: {  	[tilespmem:s18], [sflag:$0x1] =	stream.strided.gather @!p1 [hbm4b:s17+s16], $0x4000, s19, s16, $0x38;
	[tilespmem:$0x10200] =	vst v63  }
0x2e: {  	p1 =	seq.s32 s13, $0x0  }
0x2f: {  	p2 =	sge.u32 @!p1 s13, s7  }
0x30: {  	p1 =	por p1, p2  }
.Ltmp2:
0x31: {  	_ = 	snop;
	(pc) =	sbr.rel @p1 .LBB1_5-.Ltmp2, $1  }
0x32: {  	_ =	sdelay $0x3  }
0x33: {  	s19 =	simm.s32 $0x0  }
0x34: {  	s18 =	sand.u32 $0x3800, s19;
	s20 =	sand.u32 $0x380, s19  }
0x35: {  	s16 =	sand.u32 $0x1, s13;
	s18 =	sor.u32 s20, s18  }
0x36: {  	_ =	swait.ge [sflag:s4], $0x4000;
	s17 =	sshll.u32 s16, $0xE;
	s20 =	sand.u32 $0x3B00, s18  }
0x37: {  	[sflag:s4] =	ssyncset.done $0x0;
	s19 =	sand.u32 $0x80, s19;
	s20 =	sadd.s32 s20, s17  }
0x38: {  	[sflag:s4] =	ssyncadd.s32 $0xFFFFC000;
	s22 =	sadd.s32 s19, s20  }
0x39: {  	v4 =	vld [tilespmem:s22+$0x400]  }
0x3a: {  	s21 =	simm.s32 $0x1;
	v5 =	vld [tilespmem:s22+$0x0]  }
0x3b: {  	s21 =	simm.s32 @!p0 $0x0;
	v6 =	vld [tilespmem:s22+$0x10]  }
0x3c: {  	v0 =	vmov s17;
	s31 =	smul.u32 $0x10400, s21;
	v7 =	vld [tilespmem:s22+$0x20]  }
0x3d: {  	v9 =	vld [tilespmem:s22+$0x30]  }
0x3e: {  	s19 =	sshrl.u32 s31, $0x2;
	v10 =	vld [tilespmem:s22+$0x40]  }
0x3f: {  	s19 =	sor.u32 $0x8000, s19;
	v11 =	vld [tilespmem:s22+$0x50]  }
0x40: {  	v8 =	vld [tilespmem:s22+$0x60];
	s20 =	sadd.s32 $0x0, s19  }
0x41: {  	v1 =	vld.idx.msk [tilespmem:v0+s18+$0x410 ss:$0x1], $0xffff;
	[tilespmem:s20+$0x2080 ss:$0x41] =	vst.msk $0xffff, v4  }
0x42: {  	v2 =	vld.idx.msk [tilespmem:v0+s18+$0x420 ss:$0x1], $0xffff;
	[tilespmem:s20+$0x0 ss:$0x41] =	vst.msk $0xffff, v5  }
0x43: {  	v3 =	vld.idx.msk [tilespmem:v0+s18+$0x430 ss:$0x1], $0xffff;
	[tilespmem:s20+$0x410 ss:$0x41] =	vst.msk $0xffff, v6  }
0x44: {  	s16 =	smul.u32 $0x10400, s16;
	[tilespmem:s20+$0x820 ss:$0x41] =	vst.msk $0xffff, v7;
	v7 =	vld [tilespmem:s22+$0x70]  }
0x45: {  	s23 =	simm.s32 $0x100;
	s24 =	simm.s32 $0x8;
	[tilespmem:s20+$0xC30 ss:$0x41] =	vst.msk $0xffff, v9;
	v4 =	vld.idx.msk [tilespmem:v0+s18+$0x440 ss:$0x1], $0xffff  }
0x46: {  	s25 =	sand.u32 $0x3800, s23;
	s16 =	sshrl.u32 s16, $0x2;
	[tilespmem:s20+$0x1040 ss:$0x41] =	vst.msk $0xffff, v10;
	v5 =	vld.idx.msk [tilespmem:v0+s18+$0x450 ss:$0x1], $0xffff;
	s22 =	simm.s32 $0x80  }
0x47: {  	s21 =	simm.s32 $0x4;
	s16 =	sor.u32 $0x8000, s16;
	[tilespmem:s20+$0x1450 ss:$0x41] =	vst.msk $0xffff, v11;
	v6 =	vld.idx.msk [tilespmem:v0+s18+$0x460 ss:$0x1], $0xffff;
	s26 =	sand.u32 $0x380, s22  }
.LBB1_3:
0x48: {  	p1 =	sne.s32 s24, $0xFC;
	[tilespmem:s20+$0x1860 ss:$0x41] =	vst.msk $0xffff, v8;
	v8 =	vld.idx.msk [tilespmem:v0+s18+$0x470 ss:$0x1], $0xffff;
	s18 =	sor.u32 s26, s25  }
0x49: {  	s25 =	sand.u32 $0x3B00, s18;
	v9 =	vld.idx.msk [tilespmem:v0+s18+$0x410 ss:$0x1], $0xffff;
	[tilespmem:s20+$0x1C70 ss:$0x41] =	vst.msk $0xffff, v7  }
0x4a: {  	s26 =	sand.u32 $0x80, s22;
	s25 =	sadd.s32 s25, s17;
	v7 =	vld.idx.msk [tilespmem:v0+s18+$0x420 ss:$0x1], $0xffff;
	[tilespmem:s20+$0x2490 ss:$0x41] =	vst.msk $0xffff, v1  }
0x4b: {  	s25 =	sadd.s32 s26, s25;
	v10 =	vld.idx.msk [tilespmem:v0+s18+$0x430 ss:$0x1], $0xffff;
	[tilespmem:s20+$0x28A0 ss:$0x41] =	vst.msk $0xffff, v2  }
0x4c: {  	v11 =	vld [tilespmem:s25+$0x400];
	[tilespmem:s20+$0x2CB0 ss:$0x41] =	vst.msk $0xffff, v3  }
0x4d: {  	v12 =	vld [tilespmem:s25+$0x0];
	[tilespmem:s20+$0x30C0 ss:$0x41] =	vst.msk $0xffff, v4  }
0x4e: {  	v4 =	vld [tilespmem:s25+$0x10];
	[tilespmem:s20+$0x34D0 ss:$0x41] =	vst.msk $0xffff, v5  }
0x4f: {  	s26 =	sshra.s32 s21, $0x2;
	s21 =	smov.u32 s24;
	v1 =	vmov v9;
	v5 =	vld [tilespmem:s25+$0x20];
	[tilespmem:s20+$0x38E0 ss:$0x41] =	vst.msk $0xffff, v6  }
0x50: {  	v2 =	vmov v7;
	v6 =	vld [tilespmem:s25+$0x30];
	[tilespmem:s20+$0x3CF0 ss:$0x41] =	vst.msk $0xffff, v8;
	s20 =	sadd.s32 s26, s19  }
0x51: {  	v3 =	vmov v10;
	v9 =	vld [tilespmem:s25+$0x40];
	[tilespmem:s20+$0x2080 ss:$0x41] =	vst.msk $0xffff, v11  }
0x52: {  	[tilespmem:s20+$0x0 ss:$0x41] =	vst.msk $0xffff, v12;
	v10 =	vld [tilespmem:s25+$0x50]  }
.Ltmp3:
0x53: {  	[tilespmem:s20+$0x410 ss:$0x41] =	vst.msk $0xffff, v4;
	v8 =	vld [tilespmem:s25+$0x60];
	(pc) =	sbr.rel @p1 .LBB1_3-.Ltmp3, $4  }
0x54: {  	[tilespmem:s20+$0x820 ss:$0x41] =	vst.msk $0xffff, v5;
	v7 =	vld [tilespmem:s25+$0x70]  }
0x55: {  	[tilespmem:s20+$0xC30 ss:$0x41] =	vst.msk $0xffff, v6;
	v4 =	vld.idx.msk [tilespmem:v0+s18+$0x440 ss:$0x1], $0xffff  }
0x56: {  	s22 =	sadd.s32 $0x80, s22;
	s23 =	sadd.s32 $0x100, s23;
	[tilespmem:s20+$0x1040 ss:$0x41] =	vst.msk $0xffff, v9;
	v5 =	vld.idx.msk [tilespmem:v0+s18+$0x450 ss:$0x1], $0xffff  }
0x57: {  	s24 =	sadd.s32 $0x4, s24;
	s26 =	sand.u32 $0x380, s22;
	s25 =	sand.u32 $0x3800, s23;
	[tilespmem:s20+$0x1450 ss:$0x41] =	vst.msk $0xffff, v10;
	v6 =	vld.idx.msk [tilespmem:v0+s18+$0x460 ss:$0x1], $0xffff  }
0x58: {  	_ =	sdelay $0x2  }
0x59: {  	[tilespmem:s20+$0x1860 ss:$0x41] =	vst.msk $0xffff, v8  }
0x5a: {  	s23 =	sor.u32 s26, s25;
	[tilespmem:s20+$0x2490 ss:$0x41] =	vst.msk $0xffff, v1;
	v47 =	vld.idx.msk [tilespmem:v0+s18+$0x470 ss:$0x1], $0xffff  }
0x5b: {  	[tilespmem:s20+$0x28A0 ss:$0x41] =	vst.msk $0xffff, v2;
	v57 =	vld.idx.msk [tilespmem:v0+s23+$0x410 ss:$0x1], $0xffff  }
0x5c: {  	[tilespmem:s20+$0x2CB0 ss:$0x41] =	vst.msk $0xffff, v3;
	v58 =	vld.idx.msk [tilespmem:v0+s23+$0x420 ss:$0x1], $0xffff  }
0x5d: {  	[tilespmem:s20+$0x1C70 ss:$0x41] =	vst.msk $0xffff, v7;
	v59 =	vld.idx.msk [tilespmem:v0+s23+$0x430 ss:$0x1], $0xffff  }
0x5e: {  	v60 =	vld.idx.msk [tilespmem:v0+s23+$0x440 ss:$0x1], $0xffff;
	[tilespmem:s20+$0x30C0 ss:$0x41] =	vst.msk $0xffff, v4  }
0x5f: {  	s24 =	sand.u32 $0x3B00, s23;
	v61 =	vld.idx.msk [tilespmem:v0+s23+$0x450 ss:$0x1], $0xffff;
	[tilespmem:s20+$0x34D0 ss:$0x41] =	vst.msk $0xffff, v5  }
0x60: {  	s22 =	sand.u32 $0x80, s22;
	s27 =	sshra.s32 s21, $0x2;
	v62 =	vld.idx.msk [tilespmem:v0+s23+$0x460 ss:$0x1], $0xffff;
	s17 =	sadd.s32 s24, s17;
	[tilespmem:s20+$0x38E0 ss:$0x41] =	vst.msk $0xffff, v6  }
0x61: {  	v63 =	vld.idx.msk [tilespmem:v0+s23+$0x470 ss:$0x1], $0xffff;
	s26 =	sadd.s32 s22, s17;
	s17 =	sadd.s32 s27, s19;
	[tilespmem:s20+$0x3CF0 ss:$0x41] =	vst.msk $0xffff, v47  }
0x62: {  	v48 =	vld [tilespmem:s26+$0x400];
	[tilespmem:s17+$0x2490 ss:$0x41] =	vst.msk $0xffff, v57  }
0x63: {  	s28 =	sshll.u32 s9, $0x7;
	v49 =	vld [tilespmem:s26+$0x0];
	[tilespmem:s17+$0x28A0 ss:$0x41] =	vst.msk $0xffff, v58  }
0x64: {  	s29 =	sshll.u32 s10, $0x3;
	p1 =	sgt.s32 s9, $0x3CF90;
	s25 =	sshra.s32 s10, $0x1F;
	v50 =	vld [tilespmem:s26+$0x10];
	[tilespmem:s17+$0x2CB0 ss:$0x41] =	vst.msk $0xffff, v59  }
0x65: {  	s30 =	sand.u32 $0xFFFFFC00, s28;
	s24 =	sshra.s32 s9, $0x1F;
	v51 =	vld [tilespmem:s26+$0x20];
	s20 =	sand.u32 $0xFFFFFC00, s29;
	[tilespmem:s17+$0x30C0 ss:$0x41] =	vst.msk $0xffff, v60  }
0x66: {  	s19 =	sand.u32 $0x380, s28;
	s21 =	sand.u32 s24, s9;
	v52 =	vld [tilespmem:s26+$0x30];
	s20 =	sadd.s32 s20, s30;
	[tilespmem:s17+$0x34D0 ss:$0x41] =	vst.msk $0xffff, v61  }
0x67: {  	s22 =	smov.u32 s10;
	v53 =	vld [tilespmem:s26+$0x40];
	[tilespmem:s17+$0x38E0 ss:$0x41] =	vst.msk $0xffff, v62;
	s19 =	sor.u32 s19, s20;
	s20 =	smov.u32 s9  }
0x68: {  	s28 =	sshrl.u32 s10, $0x3;
	v54 =	vld [tilespmem:s26+$0x50];
	[tilespmem:s17+$0x3CF0 ss:$0x41] =	vst.msk $0xffff, v63;
	s31 =	sshrl.u32 s19, $0x7;
	s20 =	simm.s32 @!p1 $0x3CF90  }
0x69: {  	v55 =	vld [tilespmem:s26+$0x60];
	p1 =	sgt.s32 s10, $0x40;
	[tilespmem:s17+$0x2080 ss:$0x41] =	vst.msk $0xffff, v48;
	s19 =	smulhi.u32 $0x218DEF5, s31;
	s20 =	ssub.s32 s20, s21  }
0x6a: {  	v56 =	vld [tilespmem:s26+$0x70];
	s26 =	sand.u32 s25, s10;
	[tilespmem:s17+$0x0 ss:$0x41] =	vst.msk $0xffff, v49;
	s22 =	simm.s32 @!p1 $0x40;
	s27 =	sadd.s32 $0xFFFC3070, s20  }
0x6b: {  	[tilespmem:s17+$0x410 ss:$0x41] =	vst.msk $0xffff, v50;
	s21 =	ssub.s32 s22, s26;
	s20 =	ssub.s32 $0x3D090, s20;
	s19 =	sshrl.u32 s19, $0xB  }
0x6c: {  	[tilespmem:s17+$0x820 ss:$0x41] =	vst.msk $0xffff, v51;
	p1 =	sgt.s32 s27, $0xFF;
	s22 =	sadd.s32 $0xFFFFFFC0, s21;
	s21 =	ssub.s32 $0x80, s21  }
0x6d: {  	[tilespmem:s17+$0xC30 ss:$0x41] =	vst.msk $0xffff, v52;
	s19 =	smul.u32 $0x3D090, s19;
	s20 =	simm.s32 @p1 $0x0;
	p1 =	sgt.s32 s22, $0x3F  }
.Ltmp4:
0x6e: {  	s29 =	sand.u32 $0x7, s10;
	[tilespmem:s17+$0x1040 ss:$0x41] =	vst.msk $0xffff, v53;
	s21 =	simm.s32 @p1 $0x0;
	(pc) =	sbr.rel .LBB1_5-.Ltmp4, $4  }
0x6f: {  	[tilespmem:s17+$0x1450 ss:$0x41] =	vst.msk $0xffff, v54;
	s18 =	ssub.s32 s31, s19;
	s20 =	smul.u32 s21, s20;
	s19 =	sand.u32 $0xF, s28  }
0x70: {  	[tilespmem:s17+$0x1860 ss:$0x41] =	vst.msk $0xffff, v55;
	s21 =	sshll.u32 s29, $0x12;
	s18 =	sshll.u32 s18, $0x4;
	s19 =	sadd.s32 s5, s19  }
0x71: {  	[tilespmem:s17+$0x1C70 ss:$0x41] =	vst.msk $0xffff, v56;
	s31 =	sor.u32 $0x40, s21;
	s30 =	sand.u32 $0x3FFFFFFF, s20;
	s18 =	sadd.s32 s18, s19  }
0x72: {  	[hbm4b:s18+s31] =	stream.strided.scatter [tilespmem:s16], [sflag:$0x2], s30, s8, s31, $0x18;
	[tilespmem:$0x10200] =	vst v63  }
.LBB1_6:
0x73: {  	_ =	sfence.sel $0x180000  }
0x74: {  	s2 =	simm.s32 $0x1;
	[bflag:$0x0] =	sbarrier.arrive $0xFFFF  }
0x75: {  	s31 =	simm.s32 $0x2;
	[sflag:s2] =	ssyncpa.u1 $0x1  }
0x76: {  	[sflag:s31] =	ssyncpa.u1 $0x1  }
0x77: {  	p0 =	sne.s32 s1, $0x0;
	_ =	strace $0x90000047  }
0x78: {  	s0 =	sadd.s32 @!p0 $0x100000, s0;
	[bflag:$0x2] =	sbarrier.arrive $0xFFFF  }
0x79: {  	[sflag:s0] =	ssyncadd.tile.s32 @!p0 $0x1;
	_ =	shalt  }
.Lfunc_end1:
_tile_overlayer_lowered:
.L_overlay_start_2:
0x7a: {  	(tag) =	ssettag $0x2  }
0x7b: {  	s0 =	rddreg [dreg:$0x0];
	s2 =	stileid.u32  }
0x7c: {  	s1 =	rddreg [dreg:$0x1];
	p0 =	sne.s32 s2, $0x0  }
0x7d: {  	s3 =	rddreg [dreg:$0x2];
	[bflag:$0x3] =	sbarrier.arrive $0xFFFF;
	s2 =	simm.s32 @!p0 $0x1C01  }
0x7e: {  	[timem:s3], [sflag:s2] =	dma.local @!p0 [hbm:s0], s1  }
0x7f: {  	s0 =	simm.s32 @!p0 $0x1  }
0x80: {  	_ =	swait.ge @!p0 [sflag:s0], s1  }
0x81: {  	s1 =	ssub.s32 @!p0 $0x0, s1;
	[sflag:s0] =	ssyncset.done @!p0 $0x0  }
0x82: {  	[sflag:s0] =	ssyncadd.s32 @!p0 s1  }
0x83: {  	[bflag:$0x3] =	sbarrier.arrive $0xFFFF  }
0x84: {  	_ =	shalt  }

</sc_bundles>
